<compile_context>
chip_gen: v7x
topology: tpu7x:2x2x1
jax: 0.10.2.dev20260603
libtpu: 0.0.44.dev20260713+nightly
codegen_flags: <defaults>
</compile_context>

<pallas_src>
import functools

import jax
import jax.numpy as jnp
from jax import lax
from jax.experimental import pallas as pl
from jax.experimental.pallas import tpu as pltpu
from jax.experimental.pallas import tpu_sc as plsc


def _uv_body(z_ref, w_ref, out_ref):
    W = w_ref[...]
    emb = z_ref.shape[1]
    Wl = W[0:emb, :]
    Wr = W[emb:2 * emb, :]
    Wm = jnp.concatenate([Wl, Wr], axis=1)
    P = lax.dot_general(Wm, z_ref[...], (((0,), (1,)), ((), ())),
                        preferred_element_type=jnp.float32)
    u = P[1:2, :] - P[0:1, :]
    v = P[3:4, :] - P[2:3, :]
    out_ref[...] = jnp.concatenate([u, v], axis=0)


def _node_tables(Z, W):
    n = Z.shape[0]
    return pl.pallas_call(
        _uv_body,
        out_shape=jax.ShapeDtypeStruct((2, n), jnp.float32),
    )(Z, W)


def _sc_loss_call(uv, src, dst, y):
    n = uv.shape[1]
    e = src.shape[0]
    info = plsc.get_sparse_core_info()
    nc, ns = info.num_cores, info.num_subcores
    nw = nc * ns
    epw = e // nw

    mesh = plsc.VectorSubcoreMesh(core_axis_name="c", subcore_axis_name="s")

    @functools.partial(
        pl.kernel,
        out_type=jax.ShapeDtypeStruct((nw, 16), jnp.float32),
        mesh=mesh,
        compiler_params=pltpu.CompilerParams(needs_layout_passes=False),
        scratch_types=[
            pltpu.VMEM((n,), jnp.float32),
            pltpu.VMEM((n,), jnp.float32),
            pltpu.VMEM((epw,), jnp.int32),
            pltpu.VMEM((epw,), jnp.int32),
            pltpu.VMEM((epw,), jnp.int32),
            pltpu.VMEM((16,), jnp.float32),
        ],
    )
    def sc_loss(uv_hbm, src_hbm, dst_hbm, y_hbm, out_hbm,
                u_v, v_v, s_v, d_v, y_v, acc_v):
        wid = lax.axis_index("s") * nc + lax.axis_index("c")
        base = wid * epw
        pltpu.sync_copy(uv_hbm.at[0], u_v)
        pltpu.sync_copy(uv_hbm.at[1], v_v)
        pltpu.sync_copy(src_hbm.at[pl.ds(base, epw)], s_v)
        pltpu.sync_copy(dst_hbm.at[pl.ds(base, epw)], d_v)
        pltpu.sync_copy(y_hbm.at[pl.ds(base, epw)], y_v)

        def body(i, acc):
            off = i * 16
            si = s_v[pl.ds(off, 16)]
            di = d_v[pl.ds(off, 16)]
            yv = y_v[pl.ds(off, 16)]
            d = plsc.load_gather(u_v, [si]) + plsc.load_gather(v_v, [di])
            x = (1.0 - 2.0 * yv.astype(jnp.float32)) * d
            t = jnp.exp(-jnp.abs(x))
            s = t / (2.0 + t)
            s2 = s * s
            p = s * (2.0 + s2 * (2.0 / 3.0 + s2 * (2.0 / 5.0
                     + s2 * (2.0 / 7.0 + s2 * (2.0 / 9.0)))))
            return acc + jnp.maximum(x, 0.0) + p

        acc = lax.fori_loop(0, epw // 16, body, jnp.zeros((16,), jnp.float32))
        acc_v[...] = acc
        pltpu.sync_copy(acc_v, out_hbm.at[wid])

    return sc_loss(uv, src, dst, y)


def kernel(Z, edges, y, W):
    uv = _node_tables(Z, W)
    src = edges[:, 0]
    dst = edges[:, 1]
    partials = _sc_loss_call(uv, src, dst, y)
    return jnp.sum(partials) / jnp.float32(edges.shape[0])

# --- scband reference (transcript-rebuilt; emitter-appended) ---
"""Pipeline reference for scband-decoder-87883620811423 (READ-ONLY COPY).

The authoritative reference and input builder live on the scoring server;
editing this copy changes nothing except your own understanding.
"""

import jax, jax.numpy as jnp
import numpy as np

N_NODES = 10000
N_EDGES = 320000
EMB = 128

def setup_inputs(seed: int = 0) -> dict:
    key = jax.random.key(seed)
    k1, k2, k3, k4 = jax.random.split(key, 4)
    Z = jax.random.normal(k1, (N_NODES, EMB), dtype=jnp.float32)
    edges = jax.random.randint(k2, (N_EDGES, 2), 0, N_NODES, dtype=jnp.int32)
    y = jax.random.randint(k3, (N_EDGES,), 0, 2, dtype=jnp.int32)
    # xavier_normal init for W: std = sqrt(2/(fan_in+fan_out)) = sqrt(2/(2*EMB+2))
    std = float(np.sqrt(2.0 / (2 * EMB + 2)))
    W = jax.random.normal(k4, (2 * EMB, 2), dtype=jnp.float32) * std
    return {"Z": Z, "edges": edges, "y": y, "W": W}

def reference(Z, edges, y, W):
    # gather src/dst node embeddings (SparseCore-friendly gathers)
    src_features = jnp.take(Z, edges[:, 0], axis=0)
    dst_features = jnp.take(Z, edges[:, 1], axis=0)
    features = jnp.concatenate((src_features, dst_features), axis=1)
    scores = features @ W
    log_probs = jax.nn.log_softmax(scores, axis=1)
    # NLL loss with mean reduction (matches F.nll_loss default)
    picked = jnp.take_along_axis(log_probs, y[:, None].astype(jnp.int32), axis=1)[:, 0]
    loss = -jnp.mean(picked)
    return loss

if __name__ == "__main__":
    import jax
    _d = setup_inputs()
    print(jax.jit(kernel)(*tuple(_d.values())))

</pallas_src>

<mosaic_0001>
#map = affine_map<(d0, d1) -> (0, 0)>
#map1 = affine_map<(d0, d1) -> (0)>
module attributes {stable_mosaic.version = 14 : i64} {
  func.func @sc_loss(%arg0: i32, %arg1: i32, %arg2: memref<2x10000xf32, #tpu.memory_space<hbm>>, %arg3: memref<320000xi32, #tpu.memory_space<hbm>>, %arg4: memref<320000xi32, #tpu.memory_space<hbm>>, %arg5: memref<320000xi32, #tpu.memory_space<hbm>>, %arg6: memref<32x16xf32, #tpu.memory_space<hbm>>, %arg7: memref<10000xf32, #tpu.memory_space<vmem>>, %arg8: memref<10000xf32, #tpu.memory_space<vmem>>, %arg9: memref<10000xi32, #tpu.memory_space<vmem>>, %arg10: memref<10000xi32, #tpu.memory_space<vmem>>, %arg11: memref<10000xi32, #tpu.memory_space<vmem>>, %arg12: memref<16xf32, #tpu.memory_space<vmem>>) attributes {dimension_semantics = [#tpu.dimension_semantics<core_parallel>, #tpu.dimension_semantics<subcore_parallel>], iteration_bounds = array<i64: 2, 16>, scalar_prefetch = 0 : i64, scratch_operands = 6 : i64, tpu.core_type = #tpu.core_type<sc_vector_subcore>, window_params = [{transform_indices = #map}, {transform_indices = #map1}, {transform_indices = #map1}, {transform_indices = #map1}, {transform_indices = #map}]} {
    %mul3A = arith.constant 2 : i32
    %mul3A_0 = arith.muli %arg1, %mul3A : i32
    %add3A = arith.addi %mul3A_0, %arg0 : i32
    %mul3A_1 = arith.constant 10000 : i32
    %mul3A_2 = arith.muli %add3A, %mul3A_1 : i32
    %run_scoped3A = arith.constant 0 : i32
    "tpu.region"() ({
      %run_scoped3A_11 = tpu.sem_alloc : memref<!tpu.dma_semaphore, #tpu.memory_space<semaphore_mem>>
      %dma_start3A = arith.constant 0 : i32
      %dma_start3A_12 = tpu.memref_slice %arg2[%run_scoped3A, %dma_start3A] : memref<2x10000xf32, #tpu.memory_space<hbm>> -> memref<1x10000xf32, #tpu.memory_space<hbm>>
      %dma_start3A_13 = tpu.memref_squeeze %dma_start3A_12 : memref<1x10000xf32, #tpu.memory_space<hbm>> -> memref<10000xf32, #tpu.memory_space<hbm>>
      %dma_start3A_14 = arith.constant 0 : i32
      %dma_start3A_15 = tpu.memref_slice %arg2[%run_scoped3A, %dma_start3A_14] : memref<2x10000xf32, #tpu.memory_space<hbm>> -> memref<1x10000xf32, #tpu.memory_space<hbm>>
      %dma_start3A_16 = tpu.memref_squeeze %dma_start3A_15 : memref<1x10000xf32, #tpu.memory_space<hbm>> -> memref<10000xf32, #tpu.memory_space<hbm>>
      tpu.enqueue_dma source(%dma_start3A_16 : memref<10000xf32, #tpu.memory_space<hbm>>) target(%arg7 : memref<10000xf32, #tpu.memory_space<vmem>>) target_semaphore(%run_scoped3A_11 : memref<!tpu.dma_semaphore, #tpu.memory_space<semaphore_mem>>)
      %dma_wait3A = arith.constant 0 : i32
      %dma_wait3A_17 = tpu.memref_slice %arg2[%run_scoped3A, %dma_wait3A] : memref<2x10000xf32, #tpu.memory_space<hbm>> -> memref<1x10000xf32, #tpu.memory_space<hbm>>
      %dma_wait3A_18 = tpu.memref_squeeze %dma_wait3A_17 : memref<1x10000xf32, #tpu.memory_space<hbm>> -> memref<10000xf32, #tpu.memory_space<hbm>>
      %dma_wait3A_19 = arith.constant 0 : i32
      %dma_wait3A_20 = tpu.memref_slice %arg2[%run_scoped3A, %dma_wait3A_19] : memref<2x10000xf32, #tpu.memory_space<hbm>> -> memref<1x10000xf32, #tpu.memory_space<hbm>>
      %dma_wait3A_21 = tpu.memref_squeeze %dma_wait3A_20 : memref<1x10000xf32, #tpu.memory_space<hbm>> -> memref<10000xf32, #tpu.memory_space<hbm>>
      tpu.wait_dma2 semaphore(%run_scoped3A_11 : memref<!tpu.dma_semaphore, #tpu.memory_space<semaphore_mem>>) src(%dma_wait3A_21 : memref<10000xf32, #tpu.memory_space<hbm>>) dst(%arg7 : memref<10000xf32, #tpu.memory_space<vmem>>)
      tpu.yield
    }) : () -> ()
    %run_scoped3A_3 = arith.constant 1 : i32
    "tpu.region"() ({
      %run_scoped3A_11 = tpu.sem_alloc : memref<!tpu.dma_semaphore, #tpu.memory_space<semaphore_mem>>
      %dma_start3A = arith.constant 0 : i32
      %dma_start3A_12 = tpu.memref_slice %arg2[%run_scoped3A_3, %dma_start3A] : memref<2x10000xf32, #tpu.memory_space<hbm>> -> memref<1x10000xf32, #tpu.memory_space<hbm>>
      %dma_start3A_13 = tpu.memref_squeeze %dma_start3A_12 : memref<1x10000xf32, #tpu.memory_space<hbm>> -> memref<10000xf32, #tpu.memory_space<hbm>>
      %dma_start3A_14 = arith.constant 0 : i32
      %dma_start3A_15 = tpu.memref_slice %arg2[%run_scoped3A_3, %dma_start3A_14] : memref<2x10000xf32, #tpu.memory_space<hbm>> -> memref<1x10000xf32, #tpu.memory_space<hbm>>
      %dma_start3A_16 = tpu.memref_squeeze %dma_start3A_15 : memref<1x10000xf32, #tpu.memory_space<hbm>> -> memref<10000xf32, #tpu.memory_space<hbm>>
      tpu.enqueue_dma source(%dma_start3A_16 : memref<10000xf32, #tpu.memory_space<hbm>>) target(%arg8 : memref<10000xf32, #tpu.memory_space<vmem>>) target_semaphore(%run_scoped3A_11 : memref<!tpu.dma_semaphore, #tpu.memory_space<semaphore_mem>>)
      %dma_wait3A = arith.constant 0 : i32
      %dma_wait3A_17 = tpu.memref_slice %arg2[%run_scoped3A_3, %dma_wait3A] : memref<2x10000xf32, #tpu.memory_space<hbm>> -> memref<1x10000xf32, #tpu.memory_space<hbm>>
      %dma_wait3A_18 = tpu.memref_squeeze %dma_wait3A_17 : memref<1x10000xf32, #tpu.memory_space<hbm>> -> memref<10000xf32, #tpu.memory_space<hbm>>
      %dma_wait3A_19 = arith.constant 0 : i32
      %dma_wait3A_20 = tpu.memref_slice %arg2[%run_scoped3A_3, %dma_wait3A_19] : memref<2x10000xf32, #tpu.memory_space<hbm>> -> memref<1x10000xf32, #tpu.memory_space<hbm>>
      %dma_wait3A_21 = tpu.memref_squeeze %dma_wait3A_20 : memref<1x10000xf32, #tpu.memory_space<hbm>> -> memref<10000xf32, #tpu.memory_space<hbm>>
      tpu.wait_dma2 semaphore(%run_scoped3A_11 : memref<!tpu.dma_semaphore, #tpu.memory_space<semaphore_mem>>) src(%dma_wait3A_21 : memref<10000xf32, #tpu.memory_space<hbm>>) dst(%arg8 : memref<10000xf32, #tpu.memory_space<vmem>>)
      tpu.yield
    }) : () -> ()
    "tpu.region"() ({
      %run_scoped3A_11 = tpu.sem_alloc : memref<!tpu.dma_semaphore, #tpu.memory_space<semaphore_mem>>
      %dma_start3A = tpu.memref_slice %arg3[%mul3A_2] : memref<320000xi32, #tpu.memory_space<hbm>> -> memref<10000xi32, #tpu.memory_space<hbm>>
      %dma_start3A_12 = tpu.memref_slice %arg3[%mul3A_2] : memref<320000xi32, #tpu.memory_space<hbm>> -> memref<10000xi32, #tpu.memory_space<hbm>>
      tpu.enqueue_dma source(%dma_start3A_12 : memref<10000xi32, #tpu.memory_space<hbm>>) target(%arg9 : memref<10000xi32, #tpu.memory_space<vmem>>) target_semaphore(%run_scoped3A_11 : memref<!tpu.dma_semaphore, #tpu.memory_space<semaphore_mem>>)
      %dma_wait3A = tpu.memref_slice %arg3[%mul3A_2] : memref<320000xi32, #tpu.memory_space<hbm>> -> memref<10000xi32, #tpu.memory_space<hbm>>
      %dma_wait3A_13 = tpu.memref_slice %arg3[%mul3A_2] : memref<320000xi32, #tpu.memory_space<hbm>> -> memref<10000xi32, #tpu.memory_space<hbm>>
      tpu.wait_dma2 semaphore(%run_scoped3A_11 : memref<!tpu.dma_semaphore, #tpu.memory_space<semaphore_mem>>) src(%dma_wait3A_13 : memref<10000xi32, #tpu.memory_space<hbm>>) dst(%arg9 : memref<10000xi32, #tpu.memory_space<vmem>>)
      tpu.yield
    }) : () -> ()
    "tpu.region"() ({
      %run_scoped3A_11 = tpu.sem_alloc : memref<!tpu.dma_semaphore, #tpu.memory_space<semaphore_mem>>
      %dma_start3A = tpu.memref_slice %arg4[%mul3A_2] : memref<320000xi32, #tpu.memory_space<hbm>> -> memref<10000xi32, #tpu.memory_space<hbm>>
      %dma_start3A_12 = tpu.memref_slice %arg4[%mul3A_2] : memref<320000xi32, #tpu.memory_space<hbm>> -> memref<10000xi32, #tpu.memory_space<hbm>>
      tpu.enqueue_dma source(%dma_start3A_12 : memref<10000xi32, #tpu.memory_space<hbm>>) target(%arg10 : memref<10000xi32, #tpu.memory_space<vmem>>) target_semaphore(%run_scoped3A_11 : memref<!tpu.dma_semaphore, #tpu.memory_space<semaphore_mem>>)
      %dma_wait3A = tpu.memref_slice %arg4[%mul3A_2] : memref<320000xi32, #tpu.memory_space<hbm>> -> memref<10000xi32, #tpu.memory_space<hbm>>
      %dma_wait3A_13 = tpu.memref_slice %arg4[%mul3A_2] : memref<320000xi32, #tpu.memory_space<hbm>> -> memref<10000xi32, #tpu.memory_space<hbm>>
      tpu.wait_dma2 semaphore(%run_scoped3A_11 : memref<!tpu.dma_semaphore, #tpu.memory_space<semaphore_mem>>) src(%dma_wait3A_13 : memref<10000xi32, #tpu.memory_space<hbm>>) dst(%arg10 : memref<10000xi32, #tpu.memory_space<vmem>>)
      tpu.yield
    }) : () -> ()
    "tpu.region"() ({
      %run_scoped3A_11 = tpu.sem_alloc : memref<!tpu.dma_semaphore, #tpu.memory_space<semaphore_mem>>
      %dma_start3A = tpu.memref_slice %arg5[%mul3A_2] : memref<320000xi32, #tpu.memory_space<hbm>> -> memref<10000xi32, #tpu.memory_space<hbm>>
      %dma_start3A_12 = tpu.memref_slice %arg5[%mul3A_2] : memref<320000xi32, #tpu.memory_space<hbm>> -> memref<10000xi32, #tpu.memory_space<hbm>>
      tpu.enqueue_dma source(%dma_start3A_12 : memref<10000xi32, #tpu.memory_space<hbm>>) target(%arg11 : memref<10000xi32, #tpu.memory_space<vmem>>) target_semaphore(%run_scoped3A_11 : memref<!tpu.dma_semaphore, #tpu.memory_space<semaphore_mem>>)
      %dma_wait3A = tpu.memref_slice %arg5[%mul3A_2] : memref<320000xi32, #tpu.memory_space<hbm>> -> memref<10000xi32, #tpu.memory_space<hbm>>
      %dma_wait3A_13 = tpu.memref_slice %arg5[%mul3A_2] : memref<320000xi32, #tpu.memory_space<hbm>> -> memref<10000xi32, #tpu.memory_space<hbm>>
      tpu.wait_dma2 semaphore(%run_scoped3A_11 : memref<!tpu.dma_semaphore, #tpu.memory_space<semaphore_mem>>) src(%dma_wait3A_13 : memref<10000xi32, #tpu.memory_space<hbm>>) dst(%arg11 : memref<10000xi32, #tpu.memory_space<vmem>>)
      tpu.yield
    }) : () -> ()
    %broadcast_in_dim3A = arith.constant 0.000000e+00 : f32
    %broadcast_in_dim3A_4 = vector.broadcast %broadcast_in_dim3A : f32 to vector<16xf32>
    %scan3A = arith.constant 0 : i32
    %scan3A_5 = arith.constant 625 : i32
    %scan3A_6 = arith.addi %scan3A, %scan3A_5 : i32
    %scan3A_7 = arith.constant 1 : i32
    %scan3A_8 = scf.for %scan3A_11 = %scan3A to %scan3A_6 step %scan3A_7 iter_args(%scan3A_12 = %broadcast_in_dim3A_4) -> (vector<16xf32>)  : i32 {
      %mul3A_13 = arith.constant 16 : i32
      %mul3A_14 = arith.muli %scan3A_11, %mul3A_13 : i32
      %get3A = arith.index_cast %mul3A_14 : i32 to index
      %get3A_15 = tpu.vector_load %arg9[%get3A] {strides = array<i32>} : memref<10000xi32, #tpu.memory_space<vmem>>, vector<16xi32>,
      %get3A_16 = arith.index_cast %mul3A_14 : i32 to index
      %get3A_17 = tpu.vector_load %arg10[%get3A_16] {strides = array<i32>} : memref<10000xi32, #tpu.memory_space<vmem>>, vector<16xi32>,
      %get3A_18 = arith.index_cast %mul3A_14 : i32 to index
      %get3A_19 = tpu.vector_load %arg11[%get3A_18] {strides = array<i32>} : memref<10000xi32, #tpu.memory_space<vmem>>, vector<16xi32>,
      %gather3A = tpu.vector_load_idx %arg7[%get3A_15] : memref<10000xf32, #tpu.memory_space<vmem>>[vector<16xi32>], vector<16xf32>,
      %gather3A_20 = tpu.vector_load_idx %arg8[%get3A_17] : memref<10000xf32, #tpu.memory_space<vmem>>[vector<16xi32>], vector<16xf32>,
      %add3A_21 = arith.addf %gather3A, %gather3A_20 : vector<16xf32>
      %convert_element_type3A = arith.sitofp %get3A_19 : vector<16xi32> to vector<16xf32>
      %mul3A_22 = arith.constant 2.000000e+00 : f32
      %mul3A_23 = vector.broadcast %mul3A_22 : f32 to vector<16xf32>
      %mul3A_24 = arith.mulf %mul3A_23, %convert_element_type3A : vector<16xf32>
      %sub3A = arith.constant 1.000000e+00 : f32
      %sub3A_25 = vector.broadcast %sub3A : f32 to vector<16xf32>
      %sub3A_26 = arith.subf %sub3A_25, %mul3A_24 : vector<16xf32>
      %mul3A_27 = arith.mulf %sub3A_26, %add3A_21 : vector<16xf32>
      %abs3A = math.absf %mul3A_27 : vector<16xf32>
      %neg3A = arith.constant 0.000000e+00 : f32
      %neg3A_28 = vector.broadcast %neg3A : f32 to vector<16xf32>
      %neg3A_29 = arith.subf %neg3A_28, %abs3A : vector<16xf32>
      %exp3A = math.exp %neg3A_29 : vector<16xf32>
      %add3A_30 = arith.constant 2.000000e+00 : f32
      %add3A_31 = vector.broadcast %add3A_30 : f32 to vector<16xf32>
      %add3A_32 = arith.addf %add3A_31, %exp3A : vector<16xf32>
      %div3A = arith.divf %exp3A, %add3A_32 : vector<16xf32>
      %mul3A_33 = arith.mulf %div3A, %div3A : vector<16xf32>
      %mul3A_34 = arith.constant 0.222222224 : f32
      %mul3A_35 = vector.broadcast %mul3A_34 : f32 to vector<16xf32>
      %mul3A_36 = arith.mulf %mul3A_33, %mul3A_35 : vector<16xf32>
      %add3A_37 = arith.constant 0.285714298 : f32
      %add3A_38 = vector.broadcast %add3A_37 : f32 to vector<16xf32>
      %add3A_39 = arith.addf %add3A_38, %mul3A_36 : vector<16xf32>
      %mul3A_40 = arith.mulf %mul3A_33, %add3A_39 : vector<16xf32>
      %add3A_41 = arith.constant 4.000000e-01 : f32
      %add3A_42 = vector.broadcast %add3A_41 : f32 to vector<16xf32>
      %add3A_43 = arith.addf %add3A_42, %mul3A_40 : vector<16xf32>
      %mul3A_44 = arith.mulf %mul3A_33, %add3A_43 : vector<16xf32>
      %add3A_45 = arith.constant 0.666666686 : f32
      %add3A_46 = vector.broadcast %add3A_45 : f32 to vector<16xf32>
      %add3A_47 = arith.addf %add3A_46, %mul3A_44 : vector<16xf32>
      %mul3A_48 = arith.mulf %mul3A_33, %add3A_47 : vector<16xf32>
      %add3A_49 = arith.constant 2.000000e+00 : f32
      %add3A_50 = vector.broadcast %add3A_49 : f32 to vector<16xf32>
      %add3A_51 = arith.addf %add3A_50, %mul3A_48 : vector<16xf32>
      %mul3A_52 = arith.mulf %div3A, %add3A_51 : vector<16xf32>
      %max3A = arith.constant 0.000000e+00 : f32
      %max3A_53 = vector.broadcast %max3A : f32 to vector<16xf32>
      %max3A_54 = arith.maximumf %mul3A_27, %max3A_53 : vector<16xf32>
      %add3A_55 = arith.addf %scan3A_12, %max3A_54 : vector<16xf32>
      %add3A_56 = arith.addf %add3A_55, %mul3A_52 : vector<16xf32>
      scf.yield %add3A_56 : vector<16xf32>
    }
    %scan3A_9 = arith.constant 625 : i32
    %swap3A = arith.constant 0 : index
    %swap3A_10 = tpu.vector_load %arg12[%swap3A] {strides = array<i32>} : memref<16xf32, #tpu.memory_space<vmem>>, vector<16xf32>,
    tpu.vector_store %arg12[%swap3A], %scan3A_8 {strides = array<i32>} : memref<16xf32, #tpu.memory_space<vmem>>, vector<16xf32>,
    "tpu.region"() ({
      %run_scoped3A_11 = tpu.sem_alloc : memref<!tpu.dma_semaphore, #tpu.memory_space<semaphore_mem>>
      %dma_start3A = arith.constant 0 : i32
      %dma_start3A_12 = tpu.memref_slice %arg6[%add3A, %dma_start3A] : memref<32x16xf32, #tpu.memory_space<hbm>> -> memref<1x16xf32, #tpu.memory_space<hbm>>
      %dma_start3A_13 = tpu.memref_squeeze %dma_start3A_12 : memref<1x16xf32, #tpu.memory_space<hbm>> -> memref<16xf32, #tpu.memory_space<hbm>>
      %dma_start3A_14 = arith.constant 0 : i32
      %dma_start3A_15 = tpu.memref_slice %arg6[%add3A, %dma_start3A_14] : memref<32x16xf32, #tpu.memory_space<hbm>> -> memref<1x16xf32, #tpu.memory_space<hbm>>
      %dma_start3A_16 = tpu.memref_squeeze %dma_start3A_15 : memref<1x16xf32, #tpu.memory_space<hbm>> -> memref<16xf32, #tpu.memory_space<hbm>>
      tpu.enqueue_dma source(%arg12 : memref<16xf32, #tpu.memory_space<vmem>>) target(%dma_start3A_16 : memref<16xf32, #tpu.memory_space<hbm>>) target_semaphore(%run_scoped3A_11 : memref<!tpu.dma_semaphore, #tpu.memory_space<semaphore_mem>>)
      %dma_wait3A = arith.constant 0 : i32
      %dma_wait3A_17 = tpu.memref_slice %arg6[%add3A, %dma_wait3A] : memref<32x16xf32, #tpu.memory_space<hbm>> -> memref<1x16xf32, #tpu.memory_space<hbm>>
      %dma_wait3A_18 = tpu.memref_squeeze %dma_wait3A_17 : memref<1x16xf32, #tpu.memory_space<hbm>> -> memref<16xf32, #tpu.memory_space<hbm>>
      %dma_wait3A_19 = arith.constant 0 : i32
      %dma_wait3A_20 = tpu.memref_slice %arg6[%add3A, %dma_wait3A_19] : memref<32x16xf32, #tpu.memory_space<hbm>> -> memref<1x16xf32, #tpu.memory_space<hbm>>
      %dma_wait3A_21 = tpu.memref_squeeze %dma_wait3A_20 : memref<1x16xf32, #tpu.memory_space<hbm>> -> memref<16xf32, #tpu.memory_space<hbm>>
      tpu.wait_dma2 semaphore(%run_scoped3A_11 : memref<!tpu.dma_semaphore, #tpu.memory_space<semaphore_mem>>) src(%arg12 : memref<16xf32, #tpu.memory_space<vmem>>) dst(%dma_wait3A_21 : memref<16xf32, #tpu.memory_space<hbm>>)
      tpu.yield
    }) : () -> ()
    return
  }
}

module attributes {stable_mosaic.version = 14 : i64} {
  func.func @_uv_body(%arg0: memref<10000x128xf32, #tpu.memory_space<vmem>>, %arg1: memref<256x2xf32, #tpu.memory_space<vmem>>, %arg2: memref<2x10000xf32, #tpu.memory_space<vmem>>) attributes {dimension_semantics = [], scalar_prefetch = 0 : i64, scratch_operands = 0 : i64, tpu.core_type = #tpu.core_type<tc>} {
    %get3A = arith.constant 0 : index
    %get3A_0 = arith.constant 0 : index
    %get3A_1 = vector.load %arg1[%get3A, %get3A_0] : memref<256x2xf32, #tpu.memory_space<vmem>>, vector<256x2xf32>
    %slice3A = vector.extract_strided_slice %get3A_1 {offsets = [0, 0], sizes = [128, 2], strides = [1, 1]} : vector<256x2xf32> to vector<128x2xf32>
    %slice3A_2 = vector.extract_strided_slice %get3A_1 {offsets = [128, 0], sizes = [128, 2], strides = [1, 1]} : vector<256x2xf32> to vector<128x2xf32>
    %concatenate3A = tpu.concatenate %slice3A, %slice3A_2 in 1 : vector<128x2xf32>, vector<128x2xf32> -> vector<128x4xf32>
    %get3A_3 = arith.constant 0 : index
    %get3A_4 = arith.constant 0 : index
    %get3A_5 = vector.load %arg0[%get3A_3, %get3A_4] : memref<10000x128xf32, #tpu.memory_space<vmem>>, vector<10000x128xf32>
    %dot_general3A = arith.constant dense<0.000000e+00> : vector<4x10000xf32>
    %dot_general3A_6 = tpu.matmul %concatenate3A, %get3A_5, %dot_general3A {dimension_numbers = #tpu.dot_dimension_numbers<[0], [1], [1], [0], [0, 1, 1, 0], [], []>, transpose_lhs_hint = false} : vector<128x4xf32>, vector<10000x128xf32>, vector<4x10000xf32> -> vector<4x10000xf32>
    %slice3A_7 = vector.extract_strided_slice %dot_general3A_6 {offsets = [1, 0], sizes = [1, 10000], strides = [1, 1]} : vector<4x10000xf32> to vector<1x10000xf32>
    %slice3A_8 = vector.extract_strided_slice %dot_general3A_6 {offsets = [0, 0], sizes = [1, 10000], strides = [1, 1]} : vector<4x10000xf32> to vector<1x10000xf32>
    %sub3A = arith.subf %slice3A_7, %slice3A_8 : vector<1x10000xf32>
    %slice3A_9 = vector.extract_strided_slice %dot_general3A_6 {offsets = [3, 0], sizes = [1, 10000], strides = [1, 1]} : vector<4x10000xf32> to vector<1x10000xf32>
    %slice3A_10 = vector.extract_strided_slice %dot_general3A_6 {offsets = [2, 0], sizes = [1, 10000], strides = [1, 1]} : vector<4x10000xf32> to vector<1x10000xf32>
    %sub3A_11 = arith.subf %slice3A_9, %slice3A_10 : vector<1x10000xf32>
    %concatenate3A_12 = tpu.concatenate %sub3A, %sub3A_11 in 0 : vector<1x10000xf32>, vector<1x10000xf32> -> vector<2x10000xf32>
    %swap3A = arith.constant 0 : index
    %swap3A_13 = arith.constant 0 : index
    %swap3A_14 = vector.load %arg2[%swap3A, %swap3A_13] : memref<2x10000xf32, #tpu.memory_space<vmem>>, vector<2x10000xf32>
    tpu.vector_store %arg2[%swap3A, %swap3A_13], %concatenate3A_12 {strides = array<i32>} : memref<2x10000xf32, #tpu.memory_space<vmem>>, vector<2x10000xf32>,
    return
  }
}

</mosaic_0001>

<sc_bundles>
// kernel: kernel.4.cloned.1.call-start
scs
__scs_entry_jumppad:
0x0: {  	(pc) =	sbr.rel $0x88, $3  }
0x1: {  	(tag) =	ssettag $0x0;
	lr =	simm.s32 $0x1  }
0x2: {  	[smem:$0x3F9D] =	sst lr;
	_ =	strace $0xD0000000  }
0x3: {  	_ = 	snop  }
0x4: {  	_ = 	snop  }
0x5: {  	_ = 	snop  }
0x6: {  	_ = 	snop  }
0x7: {  	_ = 	snop  }
__scs_overlays_trampoline_lowered:
0x8: {  	[smem:$0x3FAC] =	sst s0  }
0x9: {  	[smem:$0x3FAD] =	sst s1  }
0xa: {  	[smem:$0x3FAE] =	sst s2  }
0xb: {  	[smem:$0x3FAF] =	sst s3  }
0xc: {  	[smem:$0x3FB0] =	sst s4  }
0xd: {  	[smem:$0x3FB1] =	sst s5  }
0xe: {  	[smem:$0x3FB2] =	sst s6  }
0xf: {  	[smem:$0x3FB3] =	sst s7  }
0x10: {  	[smem:$0x3FB4] =	sst s8  }
0x11: {  	[smem:$0x3FB5] =	sst s9;
	s0 =	simm.s32 @!p0 $0x0  }
0x12: {  	s1 =	sld [smem:$0x3F9B];
	s0 =	simm.s32 @p0 $0x1  }
0x13: {  	[smem:$0x3FB6] =	sst s0;
	s0 =	simm.s32 @!p1 $0x0  }
0x14: {  	s2 =	sld [smem:$0x3F9A];
	s0 =	simm.s32 @p1 $0x1  }
0x15: {  	[smem:$0x3FB7] =	sst s0;
	s0 =	simm.s32 @!p2 $0x0  }
0x16: {  	s3 =	sld [smem:$0x3FDB];
	s0 =	simm.s32 @p2 $0x1  }
0x17: {  	s4 =	simm.s32 $0x1BF5;
	[smem:$0x3FB9] =	sst s0  }
0x18: {  	s0 =	sld [smem:$0x3F9C];
	_ =	swait.ge [sflag:s4], $0x0  }
0x19: {  	s7 =	sld [smem:$0x3F9D]  }
0x1a: {  	s8 =	sadd.s32 $0xFFFFE003, lr  }
0x1b: {  	s9 =	sadd.s32 $0xFFFFFEF7, lr;
	s5 =	simm.s32 $0xFFFFFFFF;
	p2 =	slt.u32 s8, $0xFFFFF086  }
0x1c: {  	p1 =	slt.u32 s9, $0xF7A;
	s5 =	simm.s32 @!p2 $0x0  }
0x1d: {  	s5 =	simm.s32 @p1 $0x1;
	p0 =	seq.s32 s7, s2  }
0x1e: {  	s7 =	smul.u32 @!p0 $0xF7A, s2;
	p2 =	seq.s32 @!p0 s5, $0x0  }
0x1f: {  	s9 =	smul.u32 $0xF7A, s1;
	s8 =	simm.s32 @!p0 $0x1BF5;
	p2 =	por !p2, p0  }
0x20: {  	[sflag:s8] =	ssyncset.s32 @!p0 $0xFFFFF086;
	s6 =	sadd.s32 @!p0 s3, s7;
	s7 =	simm.s32 @!p0 $0x108  }
0x21: {  	s3 =	sadd.s32 s3, s9;
	s6 =	sadd.s32 @!p0 $0x88, s6;
	s7 =	simm.s32 @p2 $0x1082  }
0x22: {  	[simem:s7], [sflag:s8] =	dma.local @!p0 [hbm:s6], $0xF7A  }
0x23: {  	s9 =	sor.u32 $0xD0000000, s2;
	s6 =	simm.s32 $0x108;
	_ =	swait.ge @!p0 [sflag:s8], $0x0  }
0x24: {  	s3 =	sadd.s32 $0x88, s3;
	s6 =	simm.s32 @!p1 $0x1082;
	[sflag:s4] =	ssyncset.s32 $0xFFFFF086  }
0x25: {  	[simem:s6], [sflag:s4] =	dma.local [hbm:s3], $0xF7A  }
0x26: {  	[smem:$0x3F9D] =	sst s1;
	(tag) =	ssettag s2;
	_ =	strace s9  }
0x27: {  	s1 =	sld [smem:$0x3FAD]  }
0x28: {  	s2 =	sld [smem:$0x3FAE]  }
0x29: {  	s4 =	sld [smem:$0x3FB0]  }
0x2a: {  	p0 =	seq.s32 s5, $0x0;
	s5 =	sld [smem:$0x3FB1]  }
0x2b: {  	s6 =	sld [smem:$0x3FB2]  }
0x2c: {  	s7 =	sld [smem:$0x3FB3]  }
0x2d: {  	s3 =	simm.s32 $0x108;
	s8 =	sld [smem:$0x3FB4]  }
0x2e: {  	s3 =	simm.s32 @!p0 $0x1082;
	s9 =	sld [smem:$0x3FB5]  }
0x2f: {  	lr =	sadd.s32 s0, s3;
	s0 =	sld [smem:$0x3FAC]  }
0x30: {  	s3 =	sld [smem:$0x3FAF]  }
0x31: {  	[smem:$0x3FB8] =	sst s10  }
0x32: {  	s10 =	sld [smem:$0x3FB6];
	_ =	sdelay $0x3  }
0x33: {  	p0 =	seq.s32 s10, $0x1;
	s10 =	sld [smem:$0x3FB8];
	_ =	sdelay $0x3  }
0x34: {  	[smem:$0x3FB8] =	sst s10  }
0x35: {  	s10 =	sld [smem:$0x3FB7];
	_ =	sdelay $0x3  }
0x36: {  	p1 =	seq.s32 s10, $0x1;
	s10 =	sld [smem:$0x3FB8];
	_ =	sdelay $0x3  }
0x37: {  	[smem:$0x3FB8] =	sst s10  }
0x38: {  	s10 =	sld [smem:$0x3FB9]  }
0x39: {  	_ = 	snop;
	(pc) =	sbr.ind lr, $3  }
0x3a: {  	_ = 	snop  }
0x3b: {  	_ = 	snop  }
0x3c: {  	p2 =	seq.s32 s10, $0x1;
	s10 =	sld [smem:$0x3FB8]  }
0x3d: {  	_ =	shalt  }
0x3e: {  	_ =	shalt  }
0x3f: {  	_ =	shalt  }
0x40: {  	_ =	shalt  }
0x41: {  	_ =	shalt  }
0x42: {  	_ =	shalt  }
0x43: {  	_ =	shalt  }
0x44: {  	_ =	shalt  }
0x45: {  	_ =	shalt  }
0x46: {  	_ =	shalt  }
0x47: {  	_ =	shalt  }
0x48: {  	_ =	shalt  }
0x49: {  	_ =	shalt  }
0x4a: {  	_ =	shalt  }
0x4b: {  	_ =	shalt  }
0x4c: {  	_ =	shalt  }
0x4d: {  	_ =	shalt  }
0x4e: {  	_ =	shalt  }
0x4f: {  	_ =	shalt  }
0x50: {  	_ =	shalt  }
0x51: {  	_ =	shalt  }
0x52: {  	_ =	shalt  }
0x53: {  	_ =	shalt  }
0x54: {  	_ =	shalt  }
0x55: {  	_ =	shalt  }
0x56: {  	_ =	shalt  }
0x57: {  	_ =	shalt  }
0x58: {  	_ =	shalt  }
0x59: {  	_ =	shalt  }
0x5a: {  	_ =	shalt  }
0x5b: {  	_ =	shalt  }
0x5c: {  	_ =	shalt  }
0x5d: {  	_ =	shalt  }
0x5e: {  	_ =	shalt  }
0x5f: {  	_ =	shalt  }
0x60: {  	_ =	shalt  }
0x61: {  	_ =	shalt  }
0x62: {  	_ =	shalt  }
0x63: {  	_ =	shalt  }
0x64: {  	_ =	shalt  }
0x65: {  	_ =	shalt  }
0x66: {  	_ =	shalt  }
0x67: {  	_ =	shalt  }
0x68: {  	_ =	shalt  }
0x69: {  	_ =	shalt  }
0x6a: {  	_ =	shalt  }
0x6b: {  	_ =	shalt  }
0x6c: {  	_ =	shalt  }
0x6d: {  	_ =	shalt  }
0x6e: {  	_ =	shalt  }
0x6f: {  	_ =	shalt  }
0x70: {  	_ =	shalt  }
0x71: {  	_ =	shalt  }
0x72: {  	_ =	shalt  }
0x73: {  	_ =	shalt  }
0x74: {  	_ =	shalt  }
0x75: {  	_ =	shalt  }
0x76: {  	_ =	shalt  }
0x77: {  	_ =	shalt  }
0x78: {  	_ =	shalt  }
0x79: {  	_ =	shalt  }
0x7a: {  	_ =	shalt  }
0x7b: {  	_ =	shalt  }
0x7c: {  	_ =	shalt  }
0x7d: {  	_ =	shalt  }
0x7e: {  	_ =	shalt  }
0x7f: {  	_ =	shalt  }
0x80: {  	_ =	shalt  }
0x81: {  	_ =	shalt  }
0x82: {  	_ =	shalt  }
0x83: {  	_ =	shalt  }
0x84: {  	_ =	shalt  }
0x85: {  	_ =	shalt  }
0x86: {  	_ =	shalt  }
0x87: {  	_ =	shalt  }
.Lfunc_end0:
.L_simem_size_0:
called_computation_lowered:
.L_overlay_start_0:
0x88: {  	s2 =	sld [smem:$0x3FD9]  }
0x89: {  	s3 =	sld [smem:$0x3FFE];
	_ =	sdelay $0x1  }
0x8a: {  	s1 =	srdreg.scid  }
0x8b: {  	s0 =	sand.u32 $0x1, s1  }
0x8c: {  	s17 =	sshll.u32 s0, $0xA;
	s2 =	sadd.s32 s3, s2  }
0x8d: {  	s2 =	sadd.s32 s2, s17  }
0x8e: {  	[smem:$0x3FC4] =	sst s2  }
0x8f: {  	_ = 	snop  }
0x90: {  	s2 =	sld [smem:$0x3FC7];
	(tm) =	ssettm $0x1  }
0x91: {  	s18 =	sld [smem:$0x3FFB];
	_ =	sdelay $0x3  }
0x92: {  	_ =	strace s18  }
0x93: {  	s3 =	sld [smem:$0x3FFC];
	_ =	sdelay $0x3  }
0x94: {  	_ =	strace s3  }
0x95: {  	s3 =	sld [smem:$0x3FFD];
	_ =	sdelay $0x3  }
0x96: {  	_ =	strace s3  }
0x97: {  	_ =	strace $0x8FFFFFFF  }
0x98: {  	s19 =	sld [smem:$0x3FDB];
	_ =	sdelay $0x1  }
0x99: {  	s4 =	simm.s32 $_scs_section_size  }
0x9a: {  	s5 =	simm.s32 $_size__tile_overlayer_lowered;
	s6 =	simm.s32 $_tile_overlayer_lowered  }
0x9b: {  	s22 =	simm.s32 $0x1BFF;
	s21 =	sshll.u32 s6, $0x1;
	s3 =	sadd.s32 s4, s19  }
0x9c: {  	s7 =	simm.s32 $0x0;
	s20 =	sshll.u32 s5, $0x1;
	s5 =	sadd.s32 s21, s3  }
0x9d: {  	[timem:s7], [sflag:s22] =	dma.local [hbm:s5], s20  }
0x9e: {  	_ =	swait.ge [sflag:s22], s20  }
0x9f: {  	s4 =	ssub.s32 $0x0, s20;
	[sflag:s22] =	ssyncset.done $0x0  }
0xa0: {  	[sflag:s22] =	ssyncadd.s32 s4;
	_ =	sdelay $0x1  }
0xa1: {  	s23 =	simm.s32 $0x1B8B  }
0xa2: {  	_ =	swait.ge [sflag:s23], $0x1  }
0xa3: {  	[sflag:s23] =	ssyncset.done $0x0  }
0xa4: {  	s25 =	simm.s32 $0x1B8E;
	s24 =	sld [smem:$0x3FFE];
	[sflag:s23] =	ssyncadd.s32 $0xFFFFFFFF  }
0xa5: {  	s26 =	simm.s32 $execute0_lowered;
	[smem:$0x3FD2] =	sst s25  }
0xa6: {  	s5 =	sshll.u32 s26, $0x1;
	_ =	strace $0x80000046;
	[dreg:$0x1] =	wrdreg $0xFFFFFFFF  }
0xa7: {  	s28 =	simm.s32 $_size_execute0_lowered;
	s3 =	sadd.s32 s3, s5;
	[dreg:$0x0] =	wrdreg $0x0  }
0xa8: {  	s5 =	sshll.u32 s28, $0x1;
	[dreg:$0x2] =	wrdreg s3  }
0xa9: {  	[dreg:$0x3] =	wrdreg s5  }
0xaa: {  	[dreg:$0x4] =	wrdreg $0xC0  }
0xab: {  	_ =	task [dreg:s7], $0x5FFFF  }
0xac: {  	[dreg:$0x1] =	wrdreg $0xFFFFFFFF  }
0xad: {  	[dreg:$0x0] =	wrdreg $0x60  }
0xae: {  	[dreg:$0x2] =	wrdreg s24  }
0xaf: {  	[dreg:$0x3] =	wrdreg s2  }
0xb0: {  	[dreg:$0x4] =	wrdreg $0x9  }
0xb1: {  	_ =	task.clear_ibuf [dreg:s7], $0x5FFFF;
	_ =	strace $0x90000046  }
0xb2: {  	s29 =	simm.s32 $0x9;
	_ =	strace $0x80000048  }
0xb3: {  	_ =	swait.ge [sflag:s29], $0x1  }
0xb4: {  	[sflag:s29] =	ssyncadd.s32 $0xFFFFFFFF  }
0xb5: {  	_ =	strace $0x90000048  }
0xb6: {  	_ =	sfence  }
0xb7: {  	s30 =	sld [smem:$0x0];
	_ =	sdelay $0x2  }
0xb8: {  	s31 =	sshll.u32 s1, $0xD;
	s1 =	sshrl.u32 s1, $0x2  }
0xb9: {  	s3 =	sand.u32 $0x4000, s31;
	s1 =	sadd.s32 s1, s30  }
0xba: {  	s0 =	sor.u32 s3, s0;
	s1 =	sshll.u32 s1, $0x11  }
0xbb: {  	s0 =	sor.u32 s1, s0  }
0xbc: {  	s0 =	sadd.s32 $0x8F2B, s0  }
0xbd: {  	[sflag:s0] =	ssyncadd.remote.s32 $0x1  }
0xbe: {  	_ =	sfence.sel $0xFFFF  }
0xbf: {  	[dreg:$0x0] =	wrdreg $0xFFFFFFFF;
	(pc) =	sbr.abs _section_cstart, $3  }
0xc0: {  	[dreg:$0x1] =	wrdreg $0xFFFFFFFF  }
0xc1: {  	_ =	task.clear_ibuf [dreg:s7], $0x2FFFF;
	_ =	strace $0x9FFFFFFF  }
0xc2: {  	(tm) =	ssettm $0x7FFFFFFF  }
0xc3: {  	_ =	shalt  }
tec
execute0_lowered:
.L_overlay_start_1:
0x0: {  	(tag) =	ssettag $0x1  }
0x1: {  	s5 =	rddreg [dreg:$0x0]  }
0x2: {  	s7 =	rddreg [dreg:$0x1]  }
0x3: {  	s0 =	rddreg [dreg:$0x2]  }
0x4: {  	s3 =	srdreg.scid;
	s1 =	stileid.u32;
	s2 =	simm.s32 $0x0  }
0x5: {  	s11 =	simm.s32 $0x100;
	s12 =	simm.s32 $0x1;
	s13 =	simm.s32 $0x2780  }
0x6: {  	s14 =	simm.s32 $0x4F00;
	s15 =	simm.s32 $0x7680;
	s16 =	simm.s32 $0x9E00  }
0x7: {  	s17 =	simm.s32 $0xC580;
	s4 =	sand.u32 $0x1, s3;
	s30 =	sshll.u32 s1, $0x1  }
0x8: {  	s18 =	simm.s32 $0x0;
	[smem:$0x7FF] =	sst s2;
	s6 =	sor.u32 s4, s30  }
0x9: {  	s3 =	sadd.s32 $0x13C00, s5;
	s9 =	ssub.s32 $0x2, s4;
	s8 =	smul.u32 $0x4E2, s6  }
0xa: {  	_ =	strace $0x80000047;
	s6 =	sshll.u32 s6, $0x4;
	s31 =	sshrl.u32 s9, $0x1  }
0xb: {  	s10 =	sadd.s32 s6, s5;
	s9 =	ssub.s32 s9, s31;
	s4 =	sadd.s32 s5, s8  }
0xc: {  	s5 =	sadd.s32 $0x13C10, s5;
	s7 =	sadd.s32 s7, s8;
	s8 =	sadd.s32 $0x14600, s10  }
0xd: {  	s9 =	smax.u32 s9, $0x1;
	s10 =	simm.s32 $0x80;
	s6 =	sadd.s32 $0x9E00, s4  }
.LBB2_1:
0xe: {  	[tilespmem:s2], [sflag:$0x1] =	stream.strided.gather [hbm4b:s3+s10], $0x2780, s11, s10, $0x38;
	[tilespmem:$0xC600] =	vst v63  }
0xf: {  	_ =	swait.ge [sflag:s12], $0x2780  }
0x10: {  	[sflag:s12] =	ssyncset.done $0x0  }
0x11: {  	[sflag:s12] =	ssyncadd.s32 $0xFFFFD880  }
0x12: {  	[tilespmem:s13], [sflag:$0x1] =	stream.strided.gather [hbm4b:s5+s10], $0x2780, s11, s10, $0x38;
	[tilespmem:$0xC600] =	vst v63  }
0x13: {  	_ =	swait.ge [sflag:s12], $0x2780  }
0x14: {  	[sflag:s12] =	ssyncset.done $0x0  }
0x15: {  	[sflag:s12] =	ssyncadd.s32 $0xFFFFD880  }
0x16: {  	[tilespmem:s14], [sflag:$0x1] =	stream.linear.gather [hbm4b:s6+s2], $0x2710, $0x38;
	[tilespmem:$0xC600] =	vst v63  }
0x17: {  	_ =	swait.ge [sflag:s12], $0x2710  }
0x18: {  	[sflag:s12] =	ssyncset.done $0x0  }
0x19: {  	[sflag:s12] =	ssyncadd.s32 $0xFFFFD8F0  }
0x1a: {  	[tilespmem:s15], [sflag:$0x1] =	stream.linear.gather [hbm4b:s4+s2], $0x2710, $0x38;
	[tilespmem:$0xC600] =	vst v63  }
0x1b: {  	_ =	swait.ge [sflag:s12], $0x2710  }
0x1c: {  	[sflag:s12] =	ssyncset.done $0x0  }
0x1d: {  	[sflag:s12] =	ssyncadd.s32 $0xFFFFD8F0  }
0x1e: {  	[tilespmem:s16], [sflag:$0x1] =	stream.linear.gather [hbm4b:s7+s2], $0x2710, $0x38;
	[tilespmem:$0xC600] =	vst v63  }
0x1f: {  	_ =	swait.ge [sflag:s12], $0x2710  }
0x20: {  	[sflag:s12] =	ssyncset.done $0x0  }
0x21: {  	s19 =	simm.s32 $0x0;
	[sflag:s12] =	ssyncadd.s32 $0xFFFFD8F0  }
0x22: {  	v0 =	vld [tilespmem:s19+$0x7680]  }
0x23: {  	v1 =	vld [tilespmem:s19+$0x4F00];
	_ =	sdelay $0x3  }
0x24: {  	s25 =	simm.s32 $0x10;
	v2 =	vld [tilespmem:s19+$0x9E00]  }
0x25: {  	v3 =	vld [tilespmem:s25+$0x7680]  }
0x26: {  	v4 =	vld [tilespmem:s25+$0x4F00]  }
0x27: {  	v0 =	vld.idx.msk [tilespmem:v0+s13+$0x0], $0xffff  }
0x28: {  	v1 =	vld.idx.msk [tilespmem:v1+s2+$0x0], $0xffff  }
0x29: {  	v2 =	vcvt.s32.f32 v2;
	_ =	sdelay $0x1  }
0x2a: {  	v5 =	vld [tilespmem:s25+$0x9E00];
	v2 =	vadd.f32 v2, v2  }
0x2b: {  	s26 =	simm.s32 $0x20  }
0x2c: {  	v6 =	vld [tilespmem:s26+$0x7680];
	v2 =	vsub.f32 $1.000000000e+00, v2;
	v0 =	vadd.f32 v0, v1  }
0x2d: {  	v1 =	vld.idx.msk [tilespmem:v4+s2+$0x0], $0xffff  }
0x2e: {  	v7 =	vmul.f32 v0, v2;
	v0 =	vld.idx.msk [tilespmem:v3+s13+$0x0], $0xffff  }
0x2f: {  	v4 =	vld [tilespmem:s26+$0x4F00];
	v3 =	vcvt.s32.f32 v5  }
0x30: {  	v2 =	vand.u32 $0x7FFFFFFF, v7  }
0x31: {  	v3 =	vadd.f32 v3, v3;
	v2 =	vsub.f32 $0.0e+00, v2;
	_ =	sdelay $0x1  }
0x32: {  	v5 =	vld [tilespmem:s26+$0x9E00];
	v3 =	vsub.f32 $1.000000000e+00, v3;
	v2 =	vmul.f32 $1.442695020e+00, v2;
	v0 =	vadd.f32 v0, v1  }
0x33: {  	s28 =	simm.s32 $0x30  }
0x34: {  	v8 =	vld [tilespmem:s28+$0x7680];
	(erf) = vpow2.f32 v2;
	v1 =	vmul.f32 v0, v3  }
0x35: {  	v0 =	vld.idx.msk [tilespmem:v6+s13+$0x0], $0xffff  }
0x36: {  	v2 =	vld.idx.msk [tilespmem:v4+s2+$0x0], $0xffff;
	v3 =	vand.u32 $0x7FFFFFFF, v1  }
0x37: {  	v4 =	vcvt.s32.f32 v5;
	v5 =	vld [tilespmem:s28+$0x4F00];
	v3 =	vsub.f32 $0.0e+00, v3;
	_ =	sdelay $0x1  }
0x38: {  	v3 =	vmul.f32 $1.442695020e+00, v3  }
0x39: {  	v4 =	vadd.f32 v4, v4  }
0x3a: {  	(erf) = vpow2.f32 v3  }
0x3b: {  	v6 =	vld [tilespmem:s28+$0x9E00];
	v4 =	vsub.f32 $1.000000000e+00, v4;
	v0 =	vadd.f32 v0, v2  }
0x3c: {  	v3 =	vpop (erf)  }
0x3d: {  	v2 =	vmul.f32 v0, v4;
	v0 =	vld.idx.msk [tilespmem:v8+s13+$0x0], $0xffff;
	v9 =	vadd.f32 $2.000000000e+00, v3  }
0x3e: {  	v4 =	vld.idx.msk [tilespmem:v5+s2+$0x0], $0xffff  }
0x3f: {  	s29 =	simm.s32 $0x40;
	v5 =	vand.u32 $0x7FFFFFFF, v2;
	(erf) = vrcp.f32 v9  }
0x40: {  	v10 =	vld [tilespmem:s29+$0x7680];
	v6 =	vcvt.s32.f32 v6;
	v5 =	vsub.f32 $0.0e+00, v5;
	_ =	sdelay $0x1  }
0x41: {  	v8 =	vld [tilespmem:s29+$0x4F00];
	v6 =	vadd.f32 v6, v6;
	v5 =	vmul.f32 $1.442695020e+00, v5  }
0x42: {  	v0 =	vadd.f32 v0, v4;
	v4 =	vpop (erf)  }
0x43: {  	v6 =	vsub.f32 $1.000000000e+00, v6;
	v9 =	vld [tilespmem:s29+$0x9E00];
	(erf) = vpow2.f32 v5;
	v5 =	vadd.f32 $2.000000000e+00, v4;
	_ =	sdelay $0x1  }
0x44: {  	v0 =	vmul.f32 v0, v6;
	_ =	sdelay $0x1  }
0x45: {  	s30 =	simm.s32 $0x50;
	v6 =	vld.idx.msk [tilespmem:v10+s13+$0x0], $0xffff;
	v10 =	vand.u32 $0x7FFFFFFF, v0;
	(erf) = vrcp.f32 v5;
	v5 =	vpop (erf)  }
0x46: {  	v11 =	vld [tilespmem:s30+$0x7680];
	v12 =	vmul.f32 v5, v3;
	v3 =	vcvt.s32.f32 v9;
	v9 =	vsub.f32 $0.0e+00, v10  }
0x47: {  	v8 =	vld.idx.msk [tilespmem:v8+s2+$0x0], $0xffff  }
0x48: {  	v5 =	vld [tilespmem:s30+$0x4F00];
	v9 =	vmul.f32 $1.442695020e+00, v9  }
0x49: {  	v13 =	vmul.f32 v12, v12  }
0x4a: {  	v3 =	vadd.f32 v3, v3  }
0x4b: {  	v10 =	vld [tilespmem:s30+$0x9E00];
	v14 =	vmul.f32 $2.222222240e-01, v13  }
0x4c: {  	v6 =	vadd.f32 v6, v8;
	v3 =	vsub.f32 $1.000000000e+00, v3;
	(erf) = vpow2.f32 v9;
	v9 =	vpop (erf)  }
0x4d: {  	s31 =	simm.s32 $0x60;
	v14 =	vadd.f32 $2.857142980e-01, v14;
	v8 =	vadd.f32 $2.000000000e+00, v9  }
0x4e: {  	v15 =	vld [tilespmem:s31+$0x9E00];
	v3 =	vmul.f32 v6, v3  }
0x4f: {  	v11 =	vld.idx.msk [tilespmem:v11+s13+$0x0], $0xffff;
	(erf) = vrcp.f32 v8;
	v8 =	vmul.f32 v14, v13  }
0x50: {  	v10 =	vcvt.s32.f32 v10;
	v6 =	vpop (erf);
	v14 =	vld.idx.msk [tilespmem:v5+s2+$0x0], $0xffff  }
0x51: {  	v16 =	vld [tilespmem:s31+$0x7680];
	v5 =	vmul.f32 v6, v4;
	v4 =	vand.u32 $0x7FFFFFFF, v3;
	v8 =	vadd.f32 $4.000000060e-01, v8  }
0x52: {  	v19 =	vld [tilespmem:s31+$0x4F00];
	v4 =	vsub.f32 $0.0e+00, v4  }
0x53: {  	v15 =	vcvt.s32.f32 v15;
	v10 =	vadd.f32 v10, v10;
	v6 =	vmul.f32 v5, v5  }
0x54: {  	v4 =	vmul.f32 $1.442695020e+00, v4;
	v17 =	vmul.f32 v8, v13  }
0x55: {  	v20 =	vsub.f32 $1.000000000e+00, v10;
	v10 =	vmul.f32 $2.222222240e-01, v6;
	v11 =	vadd.f32 v11, v14;
	v8 =	vpop (erf)  }
0x56: {  	s20 =	simm.s32 $0x70;
	v14 =	vadd.f32 $6.666666860e-01, v17;
	(erf) = vpow2.f32 v4;
	v17 =	vadd.f32 $2.000000000e+00, v8  }
0x57: {  	v21 =	vld [tilespmem:s20+$0x9E00];
	v22 =	vadd.f32 $2.857142980e-01, v10;
	v10 =	vadd.f32 v15, v15;
	v4 =	vmul.f32 v11, v20  }
0x58: {  	v20 =	vmax.f32 v7, $0.0e+00;
	v11 =	vmul.f32 v14, v13;
	(erf) = vrcp.f32 v17;
	v13 =	vpop (erf);
	v17 =	vld [tilespmem:s20+$0x7680]  }
0x59: {  	v14 =	vmul.f32 v22, v6;
	v15 =	vand.u32 $0x7FFFFFFF, v4;
	v7 =	vmul.f32 v13, v9;
	v13 =	vld.idx.msk [tilespmem:v16+s13+$0x0], $0xffff  }
0x5a: {  	v63 =	vsub.f32 $0.0e+00, v15;
	v15 =	vld.idx.msk [tilespmem:v19+s2+$0x0], $0xffff  }
0x5b: {  	v11 =	vadd.f32 $2.000000000e+00, v11;
	v22 =	vadd.f32 $4.000000060e-01, v14;
	v14 =	vld [tilespmem:s20+$0x4F00]  }
0x5c: {  	v18 =	vimm.f32 $0.0e+00;
	v16 =	vcvt.s32.f32 v21  }
0x5d: {  	v9 =	vmul.f32 v7, v7;
	v11 =	vmul.f32 v11, v12;
	v12 =	vadd.f32 v20, v18  }
0x5e: {  	s19 =	simm.s32 $0x200;
	v18 =	vadd.f32 v16, v16;
	v19 =	vmul.f32 $1.442695020e+00, v63;
	v16 =	vmul.f32 v22, v6  }
.LBB2_2:
0x5f: {  	s20 =	sshra.s32 s19, $0x2;
	p0 =	sne.s32 s19, $0x9C00;
	s19 =	sadd.s32 $0x40, s19;
	v20 =	vsub.f32 $1.000000000e+00, v10;
	v24 =	vmul.f32 $2.222222240e-01, v9;
	v12 =	vadd.f32 v11, v12;
	v11 =	vmovc v5;
	v5 =	vmovc v7  }
0x60: {  	v25 =	vadd.f32 v13, v15;
	v21 =	vld [tilespmem:s20+$0x9E00];
	(erf) = vpow2.f32 v19;
	v19 =	vpop (erf);
	v15 =	vadd.f32 $6.666666860e-01, v16  }
0x61: {  	v10 =	vmov v18;
	v16 =	vld [tilespmem:s20+$0x7680];
	v22 =	vadd.f32 $2.000000000e+00, v19;
	v23 =	vadd.f32 $2.857142980e-01, v24  }
0x62: {  	v20 =	vmul.f32 v25, v20;
	v13 =	vld.idx.msk [tilespmem:v17+s13+$0x0], $0xffff;
	v17 =	vmul.f32 v15, v6;
	v6 =	vmov v9  }
.Ltmp0:
0x63: {  	v18 =	vmax.f32 v1, $0.0e+00;
	v15 =	vld.idx.msk [tilespmem:v14+s2+$0x0], $0xffff;
	(erf) = vrcp.f32 v22;
	v7 =	vpop (erf);
	v9 =	vmul.f32 v23, v6;
	(pc) =	sbr.rel @p0 .LBB2_2-.Ltmp0, $4  }
0x64: {  	v1 =	vmovc v2;
	v22 =	vand.u32 $0x7FFFFFFF, v20;
	v14 =	vld [tilespmem:s20+$0x4F00];
	v7 =	vmul.f32 v7, v8;
	v23 =	vadd.f32 $2.000000000e+00, v17;
	v8 =	vmovc v19  }
0x65: {  	v2 =	vmovc v0;
	v0 =	vmovc v3;
	v19 =	vcvt.s32.f32 v21;
	v21 =	vsub.f32 $0.0e+00, v22;
	v22 =	vadd.f32 $4.000000060e-01, v9  }
0x66: {  	v12 =	vadd.f32 v18, v12;
	v9 =	vmul.f32 v7, v7;
	v11 =	vmul.f32 v23, v11;
	v17 =	vmovc v16  }
0x67: {  	v3 =	vmovc v4;
	v4 =	vmovc v20;
	v18 =	vadd.f32 v19, v19;
	v19 =	vmul.f32 $1.442695020e+00, v21;
	v16 =	vmul.f32 v22, v6  }
0x68: {  	_ =	sdelay $0x3  }
0x69: {  	v17 =	vld.idx.msk [tilespmem:v17+s13+$0x0], $0xffff  }
0x6a: {  	v14 =	vld.idx.msk [tilespmem:v14+s2+$0x0], $0xffff  }
0x6b: {  	v10 =	vsub.f32 $1.000000000e+00, v10;
	v13 =	vadd.f32 v13, v15;
	(erf) = vpow2.f32 v19;
	_ =	sdelay $0x1  }
0x6c: {  	v10 =	vmul.f32 v13, v10;
	_ =	sdelay $0x1  }
0x6d: {  	v61 =	vsub.f32 $1.000000000e+00, v18;
	v62 =	vand.u32 $0x7FFFFFFF, v10;
	v14 =	vadd.f32 v17, v14  }
0x6e: {  	v63 =	vpop (erf);
	v15 =	vsub.f32 $0.0e+00, v62  }
0x6f: {  	v23 =	vadd.f32 $2.000000000e+00, v63;
	v13 =	vmul.f32 v14, v61  }
0x70: {  	v15 =	vmul.f32 $1.442695020e+00, v15  }
0x71: {  	v24 =	vpop (erf);
	(erf) = vrcp.f32 v23;
	v25 =	vand.u32 $0x7FFFFFFF, v13  }
0x72: {  	(erf) = vpow2.f32 v15;
	v26 =	vpop (erf);
	v19 =	vsub.f32 $0.0e+00, v25  }
0x73: {  	v27 =	vadd.f32 $2.000000000e+00, v26  }
0x74: {  	v19 =	vmul.f32 $1.442695020e+00, v19  }
0x75: {  	(erf) = vrcp.f32 v27  }
0x76: {  	(erf) = vpow2.f32 v19;
	_ =	sdelay $0x2  }
0x77: {  	v8 =	vmul.f32 v24, v8  }
0x78: {  	v28 =	vmul.f32 $2.222222240e-01, v9;
	v29 =	vpop (erf)  }
0x79: {  	v30 =	vmul.f32 v8, v8;
	v20 =	vpop (erf)  }
0x7a: {  	v15 =	vadd.f32 $2.857142980e-01, v28;
	v22 =	vadd.f32 $2.000000000e+00, v20  }
0x7b: {  	v21 =	vmul.f32 $2.222222240e-01, v30  }
0x7c: {  	v16 =	vadd.f32 $6.666666860e-01, v16;
	v15 =	vmul.f32 v15, v9;
	(erf) = vrcp.f32 v22;
	v23 =	vpop (erf)  }
0x7d: {  	v11 =	vadd.f32 v11, v12;
	v21 =	vadd.f32 $2.857142980e-01, v21;
	v32 =	vmul.f32 v29, v63;
	v31 =	vpop (erf)  }
0x7e: {  	v6 =	vmul.f32 v16, v6;
	v15 =	vadd.f32 $4.000000060e-01, v15;
	v33 =	vadd.f32 $2.000000000e+00, v31  }
0x7f: {  	v1 =	vmax.f32 v1, $0.0e+00;
	v34 =	vmul.f32 v21, v30;
	v35 =	vmul.f32 v32, v32  }
0x80: {  	v2 =	vmax.f32 v2, $0.0e+00;
	v15 =	vmul.f32 v15, v9;
	(erf) = vrcp.f32 v33  }
0x81: {  	v36 =	vadd.f32 $4.000000060e-01, v34;
	v37 =	vmul.f32 $2.222222240e-01, v35;
	v14 =	vmul.f32 v23, v26  }
0x82: {  	v0 =	vmax.f32 v0, $0.0e+00;
	v6 =	vadd.f32 $2.000000000e+00, v6;
	v15 =	vadd.f32 $6.666666860e-01, v15  }
0x83: {  	v39 =	vmul.f32 v36, v30;
	v40 =	vadd.f32 $2.857142980e-01, v37;
	v41 =	vmul.f32 v14, v14  }
0x84: {  	v1 =	vadd.f32 v1, v11;
	v5 =	vmul.f32 v6, v5;
	v38 =	vmul.f32 v15, v9  }
0x85: {  	v43 =	vadd.f32 $6.666666860e-01, v39;
	v44 =	vmul.f32 v40, v35;
	v45 =	vmul.f32 $2.222222240e-01, v41;
	v46 =	vpop (erf)  }
0x86: {  	v1 =	vadd.f32 v5, v1;
	v42 =	vadd.f32 $2.000000000e+00, v38;
	v47 =	vmul.f32 v46, v20  }
0x87: {  	v6 =	vmul.f32 v43, v30;
	v48 =	vadd.f32 $4.000000060e-01, v44;
	v49 =	vadd.f32 $2.857142980e-01, v45  }
0x88: {  	v1 =	vadd.f32 v2, v1;
	v5 =	vmul.f32 v42, v7;
	v50 =	vmul.f32 v47, v47  }
0x89: {  	v6 =	vadd.f32 $2.000000000e+00, v6;
	v7 =	vmul.f32 v48, v35;
	v9 =	vmul.f32 v49, v41;
	v51 =	vpop (erf)  }
0x8a: {  	v1 =	vadd.f32 v5, v1;
	v52 =	vmul.f32 $2.222222240e-01, v50;
	v11 =	vmul.f32 v51, v31  }
0x8b: {  	v6 =	vmul.f32 v6, v8;
	v7 =	vadd.f32 $6.666666860e-01, v7;
	v53 =	vadd.f32 $4.000000060e-01, v9  }
0x8c: {  	v0 =	vadd.f32 v0, v1;
	v54 =	vadd.f32 $2.857142980e-01, v52;
	v55 =	vmul.f32 v11, v11  }
0x8d: {  	v7 =	vmul.f32 v7, v35;
	v8 =	vmul.f32 v53, v41  }
0x8e: {  	v0 =	vadd.f32 v6, v0;
	v1 =	vmul.f32 v54, v50;
	v56 =	vmul.f32 $2.222222240e-01, v55  }
0x8f: {  	v7 =	vadd.f32 $2.000000000e+00, v7;
	v8 =	vadd.f32 $6.666666860e-01, v8  }
0x90: {  	v3 =	vmax.f32 v3, $0.0e+00;
	v1 =	vadd.f32 $4.000000060e-01, v1;
	v6 =	vadd.f32 $2.857142980e-01, v56  }
0x91: {  	v0 =	vadd.f32 v3, v0;
	v7 =	vmul.f32 v7, v32;
	v57 =	vmul.f32 v8, v41  }
0x92: {  	v1 =	vmul.f32 v1, v50;
	v6 =	vmul.f32 v6, v55  }
0x93: {  	v0 =	vadd.f32 v7, v0;
	v3 =	vadd.f32 $2.000000000e+00, v57  }
0x94: {  	v4 =	vmax.f32 v4, $0.0e+00;
	v1 =	vadd.f32 $6.666666860e-01, v1;
	v6 =	vadd.f32 $4.000000060e-01, v6  }
0x95: {  	v0 =	vadd.f32 v4, v0;
	v3 =	vmul.f32 v3, v14  }
0x96: {  	v1 =	vmul.f32 v1, v50;
	v58 =	vmul.f32 v6, v55  }
0x97: {  	v0 =	vadd.f32 v3, v0  }
0x98: {  	v1 =	vadd.f32 $2.000000000e+00, v1;
	v59 =	vadd.f32 $6.666666860e-01, v58  }
0x99: {  	v60 =	vmax.f32 v10, $0.0e+00  }
0x9a: {  	v0 =	vadd.f32 v60, v0;
	v1 =	vmul.f32 v1, v47;
	v61 =	vmul.f32 v59, v55;
	_ =	sdelay $0x1  }
0x9b: {  	v0 =	vadd.f32 v1, v0;
	v62 =	vadd.f32 $2.000000000e+00, v61  }
0x9c: {  	v63 =	vmax.f32 v13, $0.0e+00  }
0x9d: {  	v0 =	vadd.f32 v63, v0;
	v1 =	vmul.f32 v62, v11;
	_ =	sdelay $0x1  }
0x9e: {  	s18 =	sadd.s32 $0x1, s18;
	v0 =	vadd.f32 v1, v0  }
0x9f: {  	p0 =	sne.s32 s18, s9  }
.Ltmp1:
0xa0: {  	[tilespmem:$0xC580] =	vst v0;
	(pc) =	sbr.rel @p0 .LBB2_1-.Ltmp1, $4  }
0xa1: {  	[hbm4b:s8+s2] =	stream.linear.scatter [tilespmem:s17], [sflag:$0x1], $0x80, $0x38;
	[tilespmem:$0xC600] =	vst v63  }
0xa2: {  	_ =	swait.ge [sflag:s12], $0x80  }
0xa3: {  	[sflag:s12] =	ssyncset.done $0x0  }
0xa4: {  	[sflag:s12] =	ssyncadd.s32 $0xFFFFFF80  }
0xa5: {  	_ =	sfence.sel $0x180000  }
0xa6: {  	[bflag:$0x0] =	sbarrier.arrive $0xFFFF  }
0xa7: {  	p0 =	sne.s32 s1, $0x0;
	_ =	strace $0x90000047  }
0xa8: {  	s0 =	sadd.s32 @!p0 $0x100000, s0;
	[bflag:$0x2] =	sbarrier.arrive $0xFFFF  }
0xa9: {  	[sflag:s0] =	ssyncadd.tile.s32 @!p0 $0x1;
	_ =	shalt  }
.Lfunc_end2:
_tile_overlayer_lowered:
.L_overlay_start_2:
0xaa: {  	(tag) =	ssettag $0x2  }
0xab: {  	s0 =	rddreg [dreg:$0x0];
	s2 =	stileid.u32  }
0xac: {  	s1 =	rddreg [dreg:$0x1];
	p0 =	sne.s32 s2, $0x0  }
0xad: {  	s3 =	rddreg [dreg:$0x2];
	[bflag:$0x3] =	sbarrier.arrive $0xFFFF;
	s2 =	simm.s32 @!p0 $0x1C01  }
0xae: {  	[timem:s3], [sflag:s2] =	dma.local @!p0 [hbm:s0], s1  }
0xaf: {  	s0 =	simm.s32 @!p0 $0x1  }
0xb0: {  	_ =	swait.ge @!p0 [sflag:s0], s1  }
0xb1: {  	s1 =	ssub.s32 @!p0 $0x0, s1;
	[sflag:s0] =	ssyncset.done @!p0 $0x0  }
0xb2: {  	[sflag:s0] =	ssyncadd.s32 @!p0 s1  }
0xb3: {  	[bflag:$0x3] =	sbarrier.arrive $0xFFFF  }
0xb4: {  	_ =	shalt  }

</sc_bundles>
